<compile_context>
chip_gen: v7x
topology: tpu7x:2x2x1
jax: 0.10.2.dev20260603
libtpu: 0.0.44.dev20260713+nightly
codegen_flags: <defaults>
</compile_context>

<pallas_src>
import jax
import jax.numpy as jnp
from jax import lax
from jax.experimental import pallas as pl
from jax.experimental.pallas import tpu as pltpu
from jax.experimental.pallas import tpu_sc as plsc

N_NODES = 10000
NP = 10240
E_EDGES = 320000
D = 128

NC = 2
NS = 16
NW = NC * NS
CH = 80
SB = 3
CPS = 42
DSB = 6
DCPS = 21
EP = NW * SB * CPS * CH
NPT = NP // NS
TRIOS = CPS // 3

_MESH = plsc.VectorSubcoreMesh(core_axis_name="c", subcore_axis_name="s")
_SC_PARAMS = pltpu.CompilerParams(needs_layout_passes=False)


def _deg_body(dst_hbm, ew_hbm, out_hbm, dst_v, ew_v, zer_v, acc_s, sem):
    cid = lax.axis_index("c")
    sid = lax.axis_index("s")
    wid = cid * NS + sid

    zv = jnp.zeros((16,), jnp.float32)

    def zrow(i, _):
        zer_v[pl.ds(i * 16, 16)] = zv
        return ()

    lax.fori_loop(0, NPT // 16, zrow, ())
    pltpu.sync_copy(zer_v, acc_s.at[pl.ds(sid * NPT, NPT)])
    plsc.subcore_barrier()

    def superblock(sb, _):
        pltpu.sync_copy(dst_hbm.at[wid, sb], dst_v)
        pltpu.sync_copy(ew_hbm.at[wid, sb], ew_v)

        def chunk(c, _):
            pltpu.sync_copy(ew_v.at[c], acc_s.at[dst_v.at[c]], add=True)
            return ()

        lax.fori_loop(0, DCPS, chunk, ())
        return ()

    lax.fori_loop(0, DSB, superblock, ())
    plsc.subcore_barrier()

    @pl.when(sid == 0)
    def _():
        pltpu.sync_copy(acc_s, out_hbm.at[cid])


@jax.jit
def _deg_call(dst4, ew4):
    return pl.kernel(
        _deg_body,
        out_type=jax.ShapeDtypeStruct((NC, NP), jnp.float32),
        mesh=_MESH,
        compiler_params=_SC_PARAMS,
        scratch_types=[
            pltpu.VMEM((DCPS, CH), jnp.int32),
            pltpu.VMEM((DCPS, CH), jnp.float32),
            pltpu.VMEM((NPT,), jnp.float32),
            pltpu.VMEM_SHARED((NP,), jnp.float32),
            pltpu.SemaphoreType.DMA,
        ],
    )(dst4, ew4)


def _edge_body(hs_hbm, src_hbm, dst_hbm, ew_hbm, out_hbm,
               src_v, dst_v, ew_v, b0, b1, b2,
               g0, g1, g2, s0, s1, s2, acc_s):
    cid = lax.axis_index("c")
    sid = lax.axis_index("s")
    wid = cid * NS + sid
    nb = sid * NPT
    pltpu.sync_copy(hs_hbm.at[pl.ds(nb, NPT)], acc_s.at[pl.ds(nb, NPT)])
    plsc.subcore_barrier()

    bufs = (b0, b1, b2)
    gsems = (g0, g1, g2)
    ssems = (s0, s1, s2)

    def wait_gather(k):
        pltpu.make_async_copy(
            hs_hbm.at[pl.ds(0, CH)], bufs[k], gsems[k]).wait()

    def wait_scatter(k):
        pltpu.make_async_copy(
            bufs[k], acc_s.at[pl.ds(0, CH)], ssems[k]).wait()

    def issue_gather(k, c):
        pltpu.async_copy(hs_hbm.at[src_v.at[c]], bufs[k], gsems[k])

    def issue_scatter(k, c):
        pltpu.async_copy(bufs[k], acc_s.at[dst_v.at[c]], ssems[k], add=True)

    def scale(k, c):
        buf = bufs[k]
        ewrow = ew_v.at[c]

        def grp(g, _):
            ew16 = ewrow[pl.ds(g * 16, 16)]
            base = g * 16
            for l in range(16):
                bc = ew16.at[jnp.full((16,), l, jnp.int32)].get(
                    mode="promise_in_bounds")
                r = buf.at[base + l]
                for j in range(D // 16):
                    r[pl.ds(j * 16, 16)] = r[pl.ds(j * 16, 16)] * bc
            return ()

        lax.fori_loop(0, CH // 16, grp, ())

    def superblock(sb, _):
        pltpu.sync_copy(src_hbm.at[wid, sb], src_v)
        pltpu.sync_copy(dst_hbm.at[wid, sb], dst_v)
        pltpu.sync_copy(ew_hbm.at[wid, sb], ew_v)

        @pl.when(sb > 0)
        def _():
            wait_scatter(0)
            wait_scatter(1)
        issue_gather(0, 0)
        issue_gather(1, 1)

        def trio(t, _):
            c0 = t * 3
            wait_gather(0)
            scale(0, c0)
            issue_scatter(0, c0)

            @pl.when(sb + t > 0)
            def _():
                wait_scatter(2)
            issue_gather(2, c0 + 2)

            wait_gather(1)
            scale(1, c0 + 1)
            issue_scatter(1, c0 + 1)

            @pl.when(t < TRIOS - 1)
            def _():
                wait_scatter(0)
                issue_gather(0, c0 + 3)

            wait_gather(2)
            scale(2, c0 + 2)
            issue_scatter(2, c0 + 2)

            @pl.when(t < TRIOS - 1)
            def _():
                wait_scatter(1)
                issue_gather(1, c0 + 4)
            return ()

        lax.fori_loop(0, TRIOS, trio, ())
        return ()

    lax.fori_loop(0, SB, superblock, ())
    wait_scatter(0)
    wait_scatter(1)
    wait_scatter(2)
    plsc.subcore_barrier()
    pltpu.sync_copy(acc_s.at[pl.ds(nb, NPT)], out_hbm.at[cid, pl.ds(nb, NPT)])


@jax.jit
def _edge_call(hs, src4, dst4, ew4):
    return pl.kernel(
        _edge_body,
        out_type=jax.ShapeDtypeStruct((NC, NP, D), jnp.float32),
        mesh=_MESH,
        compiler_params=_SC_PARAMS,
        scratch_types=[
            pltpu.VMEM((CPS, CH), jnp.int32),
            pltpu.VMEM((CPS, CH), jnp.int32),
            pltpu.VMEM((CPS, CH), jnp.float32),
            pltpu.VMEM((CH, D), jnp.float32),
            pltpu.VMEM((CH, D), jnp.float32),
            pltpu.VMEM((CH, D), jnp.float32),
            pltpu.SemaphoreType.DMA,
            pltpu.SemaphoreType.DMA,
            pltpu.SemaphoreType.DMA,
            pltpu.SemaphoreType.DMA,
            pltpu.SemaphoreType.DMA,
            pltpu.SemaphoreType.DMA,
            pltpu.VMEM_SHARED((NP, D), jnp.float32),
        ],
    )(hs, src4, dst4, ew4)


RB = 1024


def _tc1_body(x_ref, w_ref, degp_ref, hs_ref, dis_ref):
    deg = jnp.sum(degp_ref[...], axis=0) + 1.0
    dis = jnp.where(deg > 0.0, lax.rsqrt(deg), 0.0)
    h = jnp.dot(x_ref[...], w_ref[...], preferred_element_type=jnp.float32)
    hs_ref[...] = h * dis[:, None]
    dis_ref[...] = dis[:, None]


@jax.jit
def _tc1_call(x, W1, degp):
    grid = (NP // RB,)
    return pl.pallas_call(
        _tc1_body,
        grid=grid,
        in_specs=[
            pl.BlockSpec((RB, D), lambda i: (i, 0)),
            pl.BlockSpec((D, D), lambda i: (0, 0)),
            pl.BlockSpec((NC, RB), lambda i: (0, i)),
        ],
        out_specs=[
            pl.BlockSpec((RB, D), lambda i: (i, 0)),
            pl.BlockSpec((RB, 1), lambda i: (i, 0)),
        ],
        out_shape=[
            jax.ShapeDtypeStruct((NP, D), jnp.float32),
            jax.ShapeDtypeStruct((NP, 1), jnp.float32),
        ],
    )(x, W1, degp)


def _tc2_body(a0_ref, a1_ref, hs_ref, dis_ref, b_ref, w_ref, out_ref):
    dis = dis_ref[...]
    z = (dis * (a0_ref[...] + a1_ref[...] - hs_ref[...])
         + b_ref[...][None, :])
    z = jnp.maximum(z, 0.0)
    h2 = jnp.dot(z, w_ref[...], preferred_element_type=jnp.float32)
    out_ref[...] = h2 * dis


@jax.jit
def _tc2_call(a0, a1, hs1, dis, b1, W2):
    grid = (NP // RB,)
    return pl.pallas_call(
        _tc2_body,
        grid=grid,
        in_specs=[
            pl.BlockSpec((RB, D), lambda i: (i, 0)),
            pl.BlockSpec((RB, D), lambda i: (i, 0)),
            pl.BlockSpec((RB, D), lambda i: (i, 0)),
            pl.BlockSpec((RB, 1), lambda i: (i, 0)),
            pl.BlockSpec((D,), lambda i: (0,)),
            pl.BlockSpec((D, D), lambda i: (0, 0)),
        ],
        out_specs=pl.BlockSpec((RB, D), lambda i: (i, 0)),
        out_shape=jax.ShapeDtypeStruct((NP, D), jnp.float32),
    )(a0, a1, hs1, dis, b1, W2)


def _tc3_body(a0_ref, a1_ref, hs_ref, dis_ref, b_ref, out_ref):
    dis = dis_ref[...]
    out_ref[...] = (dis * (a0_ref[...] + a1_ref[...] - hs_ref[...])
                    + b_ref[...][None, :])


@jax.jit
def _tc3_call(a0, a1, hs2, dis, b2):
    grid = (NP // RB,)
    return pl.pallas_call(
        _tc3_body,
        grid=grid,
        in_specs=[
            pl.BlockSpec((RB, D), lambda i: (i, 0)),
            pl.BlockSpec((RB, D), lambda i: (i, 0)),
            pl.BlockSpec((RB, D), lambda i: (i, 0)),
            pl.BlockSpec((RB, 1), lambda i: (i, 0)),
            pl.BlockSpec((D,), lambda i: (0,)),
        ],
        out_specs=pl.BlockSpec((RB, D), lambda i: (i, 0)),
        out_shape=jax.ShapeDtypeStruct((NP, D), jnp.float32),
    )(a0, a1, hs2, dis, b2)


def kernel(x, edge_index, edge_weight, W1, b1, W2, b2):
    pad = EP - E_EDGES
    srcp = jnp.pad(edge_index[0], (0, pad))
    dstp = jnp.pad(edge_index[1], (0, pad))
    ewp = jnp.pad(edge_weight, (0, pad))
    src4 = srcp.reshape(NW, SB, CPS, CH)
    dst4 = dstp.reshape(NW, SB, CPS, CH)
    ew4 = ewp.reshape(NW, SB, CPS, CH)
    dstd = dstp.reshape(NW, DSB, DCPS, CH)
    ewd = ewp.reshape(NW, DSB, DCPS, CH)
    xp = jnp.pad(x, ((0, NP - N_NODES), (0, 0)))

    degp = _deg_call(dstd, ewd)
    hs1, dis = _tc1_call(xp, W1, degp)
    acc1 = _edge_call(hs1, src4, dst4, ew4)
    hs2 = _tc2_call(acc1[0], acc1[1], hs1, dis, b1, W2)
    acc2 = _edge_call(hs2, src4, dst4, ew4)
    out = _tc3_call(acc2[0], acc2[1], hs2, dis, b2)
    return out[:N_NODES]

# --- scband reference (transcript-rebuilt; emitter-appended) ---
"""Pipeline reference for scband-gcn-6365141533332 (READ-ONLY COPY).

The authoritative reference and input builder live on the scoring server;
editing this copy changes nothing except your own understanding.
"""

import jax, jax.numpy as jnp
import numpy as np

N = 10000
E = 320000
D_IN = 128
D_HID = 128
D_OUT = 128


def gcn_conv(x, edge_index, edge_weight, W, b):
    """Faithful PyG GCNConv: x @ W, add self-loops, sym-normalize, scatter-add, + bias."""
    num_nodes = x.shape[0]
    h = x @ W
    src = edge_index[0]
    dst = edge_index[1]
    loop = jnp.arange(num_nodes, dtype=src.dtype)
    src = jnp.concatenate([src, loop])
    dst = jnp.concatenate([dst, loop])
    ew = jnp.concatenate([edge_weight, jnp.ones((num_nodes,), dtype=edge_weight.dtype)])
    deg = jnp.zeros((num_nodes,), dtype=h.dtype).at[dst].add(ew)
    deg_inv_sqrt = jnp.where(deg > 0, deg ** -0.5, 0.0)
    norm = deg_inv_sqrt[src] * ew * deg_inv_sqrt[dst]
    msg = h[src] * norm[:, None]
    out = jnp.zeros_like(h).at[dst].add(msg)
    return out + b


def setup_inputs(seed: int = 0) -> dict:
    key = jax.random.key(seed)
    ks = jax.random.split(key, 8)
    x = jax.random.normal(ks[0], (N, D_IN), dtype=jnp.float32)
    edge_index = jax.random.randint(ks[1], (2, E), 0, N, dtype=jnp.int32)
    edge_weight = jax.random.uniform(ks[2], (E,), dtype=jnp.float32)
    W1 = jax.random.normal(ks[3], (D_IN, D_HID), dtype=jnp.float32) * (1.0 / np.sqrt(D_IN))
    b1 = jnp.zeros((D_HID,), dtype=jnp.float32)
    W2 = jax.random.normal(ks[4], (D_HID, D_OUT), dtype=jnp.float32) * (1.0 / np.sqrt(D_HID))
    b2 = jnp.zeros((D_OUT,), dtype=jnp.float32)
    return {"x": x, "edge_index": edge_index, "edge_weight": edge_weight,
            "W1": W1, "b1": b1, "W2": W2, "b2": b2}


def reference(x, edge_index, edge_weight, W1, b1, W2, b2):
    h = gcn_conv(x, edge_index, edge_weight, W1, b1)
    h = jax.nn.relu(h)
    out = gcn_conv(h, edge_index, edge_weight, W2, b2)
    return out

if __name__ == "__main__":
    import jax
    _d = setup_inputs()
    print(jax.jit(kernel)(*tuple(_d.values())))

</pallas_src>

<mosaic_0001>
#map = affine_map<(d0, d1) -> (0, 0, 0, 0)>
#map1 = affine_map<(d0, d1) -> (0, 0)>
module attributes {stable_mosaic.version = 14 : i64} {
  func.func @_deg_body(%arg0: i32, %arg1: i32, %arg2: memref<32x6x21x80xi32, #tpu.memory_space<hbm>>, %arg3: memref<32x6x21x80xf32, #tpu.memory_space<hbm>>, %arg4: memref<2x10240xf32, #tpu.memory_space<hbm>>, %arg5: memref<21x80xi32, #tpu.memory_space<vmem>>, %arg6: memref<21x80xf32, #tpu.memory_space<vmem>>, %arg7: memref<640xf32, #tpu.memory_space<vmem>>, %arg8: memref<10240xf32, #tpu.memory_space<vmem_shared>>, %arg9: memref<!tpu.dma_semaphore, #tpu.memory_space<semaphore_mem>>) attributes {dimension_semantics = [#tpu.dimension_semantics<core_parallel>, #tpu.dimension_semantics<subcore_parallel>], iteration_bounds = array<i64: 2, 16>, scalar_prefetch = 0 : i64, scratch_operands = 5 : i64, tpu.core_type = #tpu.core_type<sc_vector_subcore>, window_params = [{transform_indices = #map}, {transform_indices = #map}, {transform_indices = #map1}]} {
    %mul3A = arith.constant 16 : i32
    %mul3A_0 = arith.muli %arg0, %mul3A : i32
    %add3A = arith.addi %mul3A_0, %arg1 : i32
    %broadcast_in_dim3A = arith.constant 0.000000e+00 : f32
    %broadcast_in_dim3A_1 = vector.broadcast %broadcast_in_dim3A : f32 to vector<16xf32>
    %scan3A = arith.constant 0 : i32
    %scan3A_2 = arith.constant 40 : i32
    %scan3A_3 = arith.addi %scan3A, %scan3A_2 : i32
    %scan3A_4 = arith.constant 1 : i32
    scf.for %scan3A_16 = %scan3A to %scan3A_3 step %scan3A_4  : i32 {
      %mul3A_17 = arith.constant 16 : i32
      %mul3A_18 = arith.muli %scan3A_16, %mul3A_17 : i32
      %swap3A = arith.index_cast %mul3A_18 : i32 to index
      %swap3A_19 = tpu.vector_load %arg7[%swap3A] {strides = array<i32>} : memref<640xf32, #tpu.memory_space<vmem>>, vector<16xf32>,
      tpu.vector_store %arg7[%swap3A], %broadcast_in_dim3A_1 {strides = array<i32>} : memref<640xf32, #tpu.memory_space<vmem>>, vector<16xf32>,
    }
    %scan3A_5 = arith.constant 40 : i32
    %mul3A_6 = arith.constant 640 : i32
    %mul3A_7 = arith.muli %arg1, %mul3A_6 : i32
    "tpu.region"() ({
      %run_scoped3A = tpu.sem_alloc : memref<!tpu.dma_semaphore, #tpu.memory_space<semaphore_mem>>
      %dma_start3A = tpu.memref_slice %arg8[%mul3A_7] : memref<10240xf32, #tpu.memory_space<vmem_shared>> -> memref<640xf32, #tpu.memory_space<vmem_shared>>
      %dma_start3A_16 = tpu.memref_slice %arg8[%mul3A_7] : memref<10240xf32, #tpu.memory_space<vmem_shared>> -> memref<640xf32, #tpu.memory_space<vmem_shared>>
      tpu.enqueue_dma source(%arg7 : memref<640xf32, #tpu.memory_space<vmem>>) target(%dma_start3A_16 : memref<640xf32, #tpu.memory_space<vmem_shared>>) target_semaphore(%run_scoped3A : memref<!tpu.dma_semaphore, #tpu.memory_space<semaphore_mem>>)
      %dma_wait3A = tpu.memref_slice %arg8[%mul3A_7] : memref<10240xf32, #tpu.memory_space<vmem_shared>> -> memref<640xf32, #tpu.memory_space<vmem_shared>>
      %dma_wait3A_17 = tpu.memref_slice %arg8[%mul3A_7] : memref<10240xf32, #tpu.memory_space<vmem_shared>> -> memref<640xf32, #tpu.memory_space<vmem_shared>>
      tpu.wait_dma2 semaphore(%run_scoped3A : memref<!tpu.dma_semaphore, #tpu.memory_space<semaphore_mem>>) src(%arg7 : memref<640xf32, #tpu.memory_space<vmem>>) dst(%dma_wait3A_17 : memref<640xf32, #tpu.memory_space<vmem_shared>>)
      tpu.yield
    }) : () -> ()
    %barrier3A = arith.constant 0 : index
    tpu.barrier barrier_id(%barrier3A)
    %scan3A_8 = arith.constant 0 : i32
    %scan3A_9 = arith.constant 6 : i32
    %scan3A_10 = arith.addi %scan3A_8, %scan3A_9 : i32
    %scan3A_11 = arith.constant 1 : i32
    scf.for %scan3A_16 = %scan3A_8 to %scan3A_10 step %scan3A_11  : i32 {
      "tpu.region"() ({
        %run_scoped3A = tpu.sem_alloc : memref<!tpu.dma_semaphore, #tpu.memory_space<semaphore_mem>>
        %dma_start3A = arith.constant 0 : i32
        %dma_start3A_22 = arith.constant 0 : i32
        %dma_start3A_23 = tpu.memref_slice %arg2[%add3A, %scan3A_16, %dma_start3A, %dma_start3A_22] : memref<32x6x21x80xi32, #tpu.memory_space<hbm>> -> memref<1x1x21x80xi32, #tpu.memory_space<hbm>>
        %dma_start3A_24 = tpu.memref_squeeze %dma_start3A_23 : memref<1x1x21x80xi32, #tpu.memory_space<hbm>> -> memref<21x80xi32, #tpu.memory_space<hbm>>
        %dma_start3A_25 = arith.constant 0 : i32
        %dma_start3A_26 = arith.constant 0 : i32
        %dma_start3A_27 = tpu.memref_slice %arg2[%add3A, %scan3A_16, %dma_start3A_25, %dma_start3A_26] : memref<32x6x21x80xi32, #tpu.memory_space<hbm>> -> memref<1x1x21x80xi32, #tpu.memory_space<hbm>>
        %dma_start3A_28 = tpu.memref_squeeze %dma_start3A_27 : memref<1x1x21x80xi32, #tpu.memory_space<hbm>> -> memref<21x80xi32, #tpu.memory_space<hbm>>
        tpu.enqueue_dma source(%dma_start3A_28 : memref<21x80xi32, #tpu.memory_space<hbm>>) target(%arg5 : memref<21x80xi32, #tpu.memory_space<vmem>>) target_semaphore(%run_scoped3A : memref<!tpu.dma_semaphore, #tpu.memory_space<semaphore_mem>>)
        %dma_wait3A = arith.constant 0 : i32
        %dma_wait3A_29 = arith.constant 0 : i32
        %dma_wait3A_30 = tpu.memref_slice %arg2[%add3A, %scan3A_16, %dma_wait3A, %dma_wait3A_29] : memref<32x6x21x80xi32, #tpu.memory_space<hbm>> -> memref<1x1x21x80xi32, #tpu.memory_space<hbm>>
        %dma_wait3A_31 = tpu.memref_squeeze %dma_wait3A_30 : memref<1x1x21x80xi32, #tpu.memory_space<hbm>> -> memref<21x80xi32, #tpu.memory_space<hbm>>
        %dma_wait3A_32 = arith.constant 0 : i32
        %dma_wait3A_33 = arith.constant 0 : i32
        %dma_wait3A_34 = tpu.memref_slice %arg2[%add3A, %scan3A_16, %dma_wait3A_32, %dma_wait3A_33] : memref<32x6x21x80xi32, #tpu.memory_space<hbm>> -> memref<1x1x21x80xi32, #tpu.memory_space<hbm>>
        %dma_wait3A_35 = tpu.memref_squeeze %dma_wait3A_34 : memref<1x1x21x80xi32, #tpu.memory_space<hbm>> -> memref<21x80xi32, #tpu.memory_space<hbm>>
        tpu.wait_dma2 semaphore(%run_scoped3A : memref<!tpu.dma_semaphore, #tpu.memory_space<semaphore_mem>>) src(%dma_wait3A_35 : memref<21x80xi32, #tpu.memory_space<hbm>>) dst(%arg5 : memref<21x80xi32, #tpu.memory_space<vmem>>)
        tpu.yield
      }) : () -> ()
      "tpu.region"() ({
        %run_scoped3A = tpu.sem_alloc : memref<!tpu.dma_semaphore, #tpu.memory_space<semaphore_mem>>
        %dma_start3A = arith.constant 0 : i32
        %dma_start3A_22 = arith.constant 0 : i32
        %dma_start3A_23 = tpu.memref_slice %arg3[%add3A, %scan3A_16, %dma_start3A, %dma_start3A_22] : memref<32x6x21x80xf32, #tpu.memory_space<hbm>> -> memref<1x1x21x80xf32, #tpu.memory_space<hbm>>
        %dma_start3A_24 = tpu.memref_squeeze %dma_start3A_23 : memref<1x1x21x80xf32, #tpu.memory_space<hbm>> -> memref<21x80xf32, #tpu.memory_space<hbm>>
        %dma_start3A_25 = arith.constant 0 : i32
        %dma_start3A_26 = arith.constant 0 : i32
        %dma_start3A_27 = tpu.memref_slice %arg3[%add3A, %scan3A_16, %dma_start3A_25, %dma_start3A_26] : memref<32x6x21x80xf32, #tpu.memory_space<hbm>> -> memref<1x1x21x80xf32, #tpu.memory_space<hbm>>
        %dma_start3A_28 = tpu.memref_squeeze %dma_start3A_27 : memref<1x1x21x80xf32, #tpu.memory_space<hbm>> -> memref<21x80xf32, #tpu.memory_space<hbm>>
        tpu.enqueue_dma source(%dma_start3A_28 : memref<21x80xf32, #tpu.memory_space<hbm>>) target(%arg6 : memref<21x80xf32, #tpu.memory_space<vmem>>) target_semaphore(%run_scoped3A : memref<!tpu.dma_semaphore, #tpu.memory_space<semaphore_mem>>)
        %dma_wait3A = arith.constant 0 : i32
        %dma_wait3A_29 = arith.constant 0 : i32
        %dma_wait3A_30 = tpu.memref_slice %arg3[%add3A, %scan3A_16, %dma_wait3A, %dma_wait3A_29] : memref<32x6x21x80xf32, #tpu.memory_space<hbm>> -> memref<1x1x21x80xf32, #tpu.memory_space<hbm>>
        %dma_wait3A_31 = tpu.memref_squeeze %dma_wait3A_30 : memref<1x1x21x80xf32, #tpu.memory_space<hbm>> -> memref<21x80xf32, #tpu.memory_space<hbm>>
        %dma_wait3A_32 = arith.constant 0 : i32
        %dma_wait3A_33 = arith.constant 0 : i32
        %dma_wait3A_34 = tpu.memref_slice %arg3[%add3A, %scan3A_16, %dma_wait3A_32, %dma_wait3A_33] : memref<32x6x21x80xf32, #tpu.memory_space<hbm>> -> memref<1x1x21x80xf32, #tpu.memory_space<hbm>>
        %dma_wait3A_35 = tpu.memref_squeeze %dma_wait3A_34 : memref<1x1x21x80xf32, #tpu.memory_space<hbm>> -> memref<21x80xf32, #tpu.memory_space<hbm>>
        tpu.wait_dma2 semaphore(%run_scoped3A : memref<!tpu.dma_semaphore, #tpu.memory_space<semaphore_mem>>) src(%dma_wait3A_35 : memref<21x80xf32, #tpu.memory_space<hbm>>) dst(%arg6 : memref<21x80xf32, #tpu.memory_space<vmem>>)
        tpu.yield
      }) : () -> ()
      %scan3A_17 = arith.constant 0 : i32
      %scan3A_18 = arith.constant 21 : i32
      %scan3A_19 = arith.addi %scan3A_17, %scan3A_18 : i32
      %scan3A_20 = arith.constant 1 : i32
      scf.for %scan3A_22 = %scan3A_17 to %scan3A_19 step %scan3A_20  : i32 {
        "tpu.region"() ({
          %run_scoped3A = tpu.sem_alloc : memref<!tpu.dma_semaphore, #tpu.memory_space<semaphore_mem>>
          %dma_start3A = arith.constant 0 : i32
          %dma_start3A_23 = tpu.memref_slice %arg6[%scan3A_22, %dma_start3A] : memref<21x80xf32, #tpu.memory_space<vmem>> -> memref<1x80xf32, #tpu.memory_space<vmem>>
          %dma_start3A_24 = tpu.memref_squeeze %dma_start3A_23 : memref<1x80xf32, #tpu.memory_space<vmem>> -> memref<80xf32, #tpu.memory_space<vmem>>
          %dma_start3A_25 = arith.constant 0 : i32
          %dma_start3A_26 = tpu.memref_slice %arg5[%scan3A_22, %dma_start3A_25] : memref<21x80xi32, #tpu.memory_space<vmem>> -> memref<1x80xi32, #tpu.memory_space<vmem>>
          %dma_start3A_27 = tpu.memref_squeeze %dma_start3A_26 : memref<1x80xi32, #tpu.memory_space<vmem>> -> memref<80xi32, #tpu.memory_space<vmem>>
          %dma_start3A_28 = arith.constant 0 : i32
          %dma_start3A_29 = tpu.memref_slice %arg8[%dma_start3A_28] : memref<10240xf32, #tpu.memory_space<vmem_shared>> -> memref<10240xf32, #tpu.memory_space<vmem_shared>>
          tpu.enqueue_indirect_dma source(%dma_start3A_24 : memref<80xf32, #tpu.memory_space<vmem>>) target(%dma_start3A_29 : memref<10240xf32, #tpu.memory_space<vmem_shared>>) offsets(%dma_start3A_27 : memref<80xi32, #tpu.memory_space<vmem>>) semaphore(%run_scoped3A : memref<!tpu.dma_semaphore, #tpu.memory_space<semaphore_mem>>) {add = true}
          %dma_wait3A = arith.constant 0 : i32
          %dma_wait3A_30 = tpu.memref_slice %arg6[%scan3A_22, %dma_wait3A] : memref<21x80xf32, #tpu.memory_space<vmem>> -> memref<1x80xf32, #tpu.memory_space<vmem>>
          %dma_wait3A_31 = tpu.memref_squeeze %dma_wait3A_30 : memref<1x80xf32, #tpu.memory_space<vmem>> -> memref<80xf32, #tpu.memory_space<vmem>>
          %dma_wait3A_32 = arith.constant 0 : i32
          %dma_wait3A_33 = tpu.memref_slice %arg5[%scan3A_22, %dma_wait3A_32] : memref<21x80xi32, #tpu.memory_space<vmem>> -> memref<1x80xi32, #tpu.memory_space<vmem>>
          %dma_wait3A_34 = tpu.memref_squeeze %dma_wait3A_33 : memref<1x80xi32, #tpu.memory_space<vmem>> -> memref<80xi32, #tpu.memory_space<vmem>>
          %dma_wait3A_35 = arith.constant 0 : i32
          %dma_wait3A_36 = tpu.memref_slice %arg8[%dma_wait3A_35] : memref<10240xf32, #tpu.memory_space<vmem_shared>> -> memref<10240xf32, #tpu.memory_space<vmem_shared>>
          tpu.wait_indirect_dma semaphore(%run_scoped3A : memref<!tpu.dma_semaphore, #tpu.memory_space<semaphore_mem>>) src(%dma_wait3A_31 : memref<80xf32, #tpu.memory_space<vmem>>) dst(%dma_wait3A_36 : memref<10240xf32, #tpu.memory_space<vmem_shared>>)
          tpu.yield
        }) : () -> ()
      }
      %scan3A_21 = arith.constant 21 : i32
    }
    %scan3A_12 = arith.constant 6 : i32
    %barrier3A_13 = arith.constant 0 : index
    tpu.barrier barrier_id(%barrier3A_13)
    %eq3A = arith.constant 0 : i32
    %eq3A_14 = arith.cmpi eq, %arg1, %eq3A : i32
    %convert_element_type3A = arith.extui %eq3A_14 : i1 to i32
    %cond3A = arith.constant 0 : i32
    %cond3A_15 = arith.cmpi ne, %convert_element_type3A, %cond3A : i32
    scf.if %cond3A_15 {
      "tpu.region"() ({
        %run_scoped3A = tpu.sem_alloc : memref<!tpu.dma_semaphore, #tpu.memory_space<semaphore_mem>>
        %dma_start3A = arith.constant 0 : i32
        %dma_start3A_16 = tpu.memref_slice %arg4[%arg0, %dma_start3A] : memref<2x10240xf32, #tpu.memory_space<hbm>> -> memref<1x10240xf32, #tpu.memory_space<hbm>>
        %dma_start3A_17 = tpu.memref_squeeze %dma_start3A_16 : memref<1x10240xf32, #tpu.memory_space<hbm>> -> memref<10240xf32, #tpu.memory_space<hbm>>
        tpu.enqueue_dma source(%arg8 : memref<10240xf32, #tpu.memory_space<vmem_shared>>) target(%dma_start3A_17 : memref<10240xf32, #tpu.memory_space<hbm>>) target_semaphore(%run_scoped3A : memref<!tpu.dma_semaphore, #tpu.memory_space<semaphore_mem>>)
        %dma_wait3A = arith.constant 0 : i32
        %dma_wait3A_18 = tpu.memref_slice %arg4[%arg0, %dma_wait3A] : memref<2x10240xf32, #tpu.memory_space<hbm>> -> memref<1x10240xf32, #tpu.memory_space<hbm>>
        %dma_wait3A_19 = tpu.memref_squeeze %dma_wait3A_18 : memref<1x10240xf32, #tpu.memory_space<hbm>> -> memref<10240xf32, #tpu.memory_space<hbm>>
        tpu.wait_dma2 semaphore(%run_scoped3A : memref<!tpu.dma_semaphore, #tpu.memory_space<semaphore_mem>>) src(%arg8 : memref<10240xf32, #tpu.memory_space<vmem_shared>>) dst(%dma_wait3A_19 : memref<10240xf32, #tpu.memory_space<hbm>>)
        tpu.yield
      }) : () -> ()
    } else {
    }
    return
  }
}

</mosaic_0001>

<sc_bundles>
// kernel: _deg_call.3.cloned.1.call-start
scs
__scs_entry_jumppad:
0x0: {  	(pc) =	sbr.rel $0x88, $3  }
0x1: {  	(tag) =	ssettag $0x0;
	lr =	simm.s32 $0x1  }
0x2: {  	[smem:$0x3F9F] =	sst lr;
	_ =	strace $0xD0000000  }
0x3: {  	_ = 	snop  }
0x4: {  	_ = 	snop  }
0x5: {  	_ = 	snop  }
0x6: {  	_ = 	snop  }
0x7: {  	_ = 	snop  }
__scs_overlays_trampoline_lowered:
0x8: {  	[smem:$0x3FAE] =	sst s0  }
0x9: {  	[smem:$0x3FAF] =	sst s1  }
0xa: {  	[smem:$0x3FB0] =	sst s2  }
0xb: {  	[smem:$0x3FB1] =	sst s3  }
0xc: {  	[smem:$0x3FB2] =	sst s4  }
0xd: {  	[smem:$0x3FB3] =	sst s5  }
0xe: {  	[smem:$0x3FB4] =	sst s6  }
0xf: {  	[smem:$0x3FB5] =	sst s7  }
0x10: {  	[smem:$0x3FB6] =	sst s8  }
0x11: {  	[smem:$0x3FB7] =	sst s9;
	s0 =	simm.s32 @!p0 $0x0  }
0x12: {  	s1 =	sld [smem:$0x3F9D];
	s0 =	simm.s32 @p0 $0x1  }
0x13: {  	[smem:$0x3FB8] =	sst s0;
	s0 =	simm.s32 @!p1 $0x0  }
0x14: {  	s2 =	sld [smem:$0x3F9C];
	s0 =	simm.s32 @p1 $0x1  }
0x15: {  	[smem:$0x3FB9] =	sst s0;
	s0 =	simm.s32 @!p2 $0x0  }
0x16: {  	s3 =	sld [smem:$0x3FDB];
	s0 =	simm.s32 @p2 $0x1  }
0x17: {  	s4 =	simm.s32 $0x1BF5;
	[smem:$0x3FBB] =	sst s0  }
0x18: {  	s0 =	sld [smem:$0x3F9E];
	_ =	swait.ge [sflag:s4], $0x0  }
0x19: {  	s7 =	sld [smem:$0x3F9F]  }
0x1a: {  	s8 =	sadd.s32 $0xFFFFE003, lr  }
0x1b: {  	s9 =	sadd.s32 $0xFFFFFEF7, lr;
	s5 =	simm.s32 $0xFFFFFFFF;
	p2 =	slt.u32 s8, $0xFFFFF086  }
0x1c: {  	p1 =	slt.u32 s9, $0xF7A;
	s5 =	simm.s32 @!p2 $0x0  }
0x1d: {  	s5 =	simm.s32 @p1 $0x1;
	p0 =	seq.s32 s7, s2  }
0x1e: {  	s7 =	smul.u32 @!p0 $0xF7A, s2;
	p2 =	seq.s32 @!p0 s5, $0x0  }
0x1f: {  	s9 =	smul.u32 $0xF7A, s1;
	s8 =	simm.s32 @!p0 $0x1BF5;
	p2 =	por !p2, p0  }
0x20: {  	[sflag:s8] =	ssyncset.s32 @!p0 $0xFFFFF086;
	s6 =	sadd.s32 @!p0 s3, s7;
	s7 =	simm.s32 @!p0 $0x108  }
0x21: {  	s3 =	sadd.s32 s3, s9;
	s6 =	sadd.s32 @!p0 $0x88, s6;
	s7 =	simm.s32 @p2 $0x1082  }
0x22: {  	[simem:s7], [sflag:s8] =	dma.local @!p0 [hbm:s6], $0xF7A  }
0x23: {  	s9 =	sor.u32 $0xD0000000, s2;
	s6 =	simm.s32 $0x108;
	_ =	swait.ge @!p0 [sflag:s8], $0x0  }
0x24: {  	s3 =	sadd.s32 $0x88, s3;
	s6 =	simm.s32 @!p1 $0x1082;
	[sflag:s4] =	ssyncset.s32 $0xFFFFF086  }
0x25: {  	[simem:s6], [sflag:s4] =	dma.local [hbm:s3], $0xF7A  }
0x26: {  	[smem:$0x3F9F] =	sst s1;
	(tag) =	ssettag s2;
	_ =	strace s9  }
0x27: {  	s1 =	sld [smem:$0x3FAF]  }
0x28: {  	s2 =	sld [smem:$0x3FB0]  }
0x29: {  	s4 =	sld [smem:$0x3FB2]  }
0x2a: {  	p0 =	seq.s32 s5, $0x0;
	s5 =	sld [smem:$0x3FB3]  }
0x2b: {  	s6 =	sld [smem:$0x3FB4]  }
0x2c: {  	s7 =	sld [smem:$0x3FB5]  }
0x2d: {  	s3 =	simm.s32 $0x108;
	s8 =	sld [smem:$0x3FB6]  }
0x2e: {  	s3 =	simm.s32 @!p0 $0x1082;
	s9 =	sld [smem:$0x3FB7]  }
0x2f: {  	lr =	sadd.s32 s0, s3;
	s0 =	sld [smem:$0x3FAE]  }
0x30: {  	s3 =	sld [smem:$0x3FB1]  }
0x31: {  	[smem:$0x3FBA] =	sst s10  }
0x32: {  	s10 =	sld [smem:$0x3FB8];
	_ =	sdelay $0x3  }
0x33: {  	p0 =	seq.s32 s10, $0x1;
	s10 =	sld [smem:$0x3FBA];
	_ =	sdelay $0x3  }
0x34: {  	[smem:$0x3FBA] =	sst s10  }
0x35: {  	s10 =	sld [smem:$0x3FB9];
	_ =	sdelay $0x3  }
0x36: {  	p1 =	seq.s32 s10, $0x1;
	s10 =	sld [smem:$0x3FBA];
	_ =	sdelay $0x3  }
0x37: {  	[smem:$0x3FBA] =	sst s10  }
0x38: {  	s10 =	sld [smem:$0x3FBB]  }
0x39: {  	_ = 	snop;
	(pc) =	sbr.ind lr, $3  }
0x3a: {  	_ = 	snop  }
0x3b: {  	_ = 	snop  }
0x3c: {  	p2 =	seq.s32 s10, $0x1;
	s10 =	sld [smem:$0x3FBA]  }
0x3d: {  	_ =	shalt  }
0x3e: {  	_ =	shalt  }
0x3f: {  	_ =	shalt  }
0x40: {  	_ =	shalt  }
0x41: {  	_ =	shalt  }
0x42: {  	_ =	shalt  }
0x43: {  	_ =	shalt  }
0x44: {  	_ =	shalt  }
0x45: {  	_ =	shalt  }
0x46: {  	_ =	shalt  }
0x47: {  	_ =	shalt  }
0x48: {  	_ =	shalt  }
0x49: {  	_ =	shalt  }
0x4a: {  	_ =	shalt  }
0x4b: {  	_ =	shalt  }
0x4c: {  	_ =	shalt  }
0x4d: {  	_ =	shalt  }
0x4e: {  	_ =	shalt  }
0x4f: {  	_ =	shalt  }
0x50: {  	_ =	shalt  }
0x51: {  	_ =	shalt  }
0x52: {  	_ =	shalt  }
0x53: {  	_ =	shalt  }
0x54: {  	_ =	shalt  }
0x55: {  	_ =	shalt  }
0x56: {  	_ =	shalt  }
0x57: {  	_ =	shalt  }
0x58: {  	_ =	shalt  }
0x59: {  	_ =	shalt  }
0x5a: {  	_ =	shalt  }
0x5b: {  	_ =	shalt  }
0x5c: {  	_ =	shalt  }
0x5d: {  	_ =	shalt  }
0x5e: {  	_ =	shalt  }
0x5f: {  	_ =	shalt  }
0x60: {  	_ =	shalt  }
0x61: {  	_ =	shalt  }
0x62: {  	_ =	shalt  }
0x63: {  	_ =	shalt  }
0x64: {  	_ =	shalt  }
0x65: {  	_ =	shalt  }
0x66: {  	_ =	shalt  }
0x67: {  	_ =	shalt  }
0x68: {  	_ =	shalt  }
0x69: {  	_ =	shalt  }
0x6a: {  	_ =	shalt  }
0x6b: {  	_ =	shalt  }
0x6c: {  	_ =	shalt  }
0x6d: {  	_ =	shalt  }
0x6e: {  	_ =	shalt  }
0x6f: {  	_ =	shalt  }
0x70: {  	_ =	shalt  }
0x71: {  	_ =	shalt  }
0x72: {  	_ =	shalt  }
0x73: {  	_ =	shalt  }
0x74: {  	_ =	shalt  }
0x75: {  	_ =	shalt  }
0x76: {  	_ =	shalt  }
0x77: {  	_ =	shalt  }
0x78: {  	_ =	shalt  }
0x79: {  	_ =	shalt  }
0x7a: {  	_ =	shalt  }
0x7b: {  	_ =	shalt  }
0x7c: {  	_ =	shalt  }
0x7d: {  	_ =	shalt  }
0x7e: {  	_ =	shalt  }
0x7f: {  	_ =	shalt  }
0x80: {  	_ =	shalt  }
0x81: {  	_ =	shalt  }
0x82: {  	_ =	shalt  }
0x83: {  	_ =	shalt  }
0x84: {  	_ =	shalt  }
0x85: {  	_ =	shalt  }
0x86: {  	_ =	shalt  }
0x87: {  	_ =	shalt  }
.Lfunc_end0:
.L_simem_size_0:
called_computation_lowered:
.L_overlay_start_0:
0x88: {  	s2 =	sld [smem:$0x3FD9]  }
0x89: {  	s3 =	sld [smem:$0x3FFE];
	_ =	sdelay $0x1  }
0x8a: {  	s1 =	srdreg.scid  }
0x8b: {  	s0 =	sand.u32 $0x1, s1  }
0x8c: {  	s17 =	sshll.u32 s0, $0xA;
	s2 =	sadd.s32 s3, s2  }
0x8d: {  	s2 =	sadd.s32 s2, s17  }
0x8e: {  	[smem:$0x3FC6] =	sst s2  }
0x8f: {  	_ = 	snop  }
0x90: {  	s2 =	sld [smem:$0x3FD0];
	(tm) =	ssettm $0x1  }
0x91: {  	s18 =	sld [smem:$0x3FFB];
	_ =	sdelay $0x3  }
0x92: {  	_ =	strace s18  }
0x93: {  	s3 =	sld [smem:$0x3FFC];
	_ =	sdelay $0x3  }
0x94: {  	_ =	strace s3  }
0x95: {  	s3 =	sld [smem:$0x3FFD];
	_ =	sdelay $0x3  }
0x96: {  	_ =	strace s3  }
0x97: {  	_ =	strace $0x8FFFFFFF  }
0x98: {  	s19 =	sld [smem:$0x3FDB];
	_ =	sdelay $0x1  }
0x99: {  	s4 =	simm.s32 $_scs_section_size  }
0x9a: {  	s5 =	simm.s32 $_size__tile_overlayer_lowered;
	s6 =	simm.s32 $_tile_overlayer_lowered  }
0x9b: {  	s22 =	simm.s32 $0x1BFF;
	s21 =	sshll.u32 s6, $0x1;
	s3 =	sadd.s32 s4, s19  }
0x9c: {  	s7 =	simm.s32 $0x0;
	s20 =	sshll.u32 s5, $0x1;
	s5 =	sadd.s32 s21, s3  }
0x9d: {  	[timem:s7], [sflag:s22] =	dma.local [hbm:s5], s20  }
0x9e: {  	_ =	swait.ge [sflag:s22], s20  }
0x9f: {  	s4 =	ssub.s32 $0x0, s20;
	[sflag:s22] =	ssyncset.done $0x0  }
0xa0: {  	[sflag:s22] =	ssyncadd.s32 s4;
	_ =	sdelay $0x1  }
0xa1: {  	s23 =	simm.s32 $0x1B8B  }
0xa2: {  	_ =	swait.ge [sflag:s23], $0x1  }
0xa3: {  	[sflag:s23] =	ssyncset.done $0x0  }
0xa4: {  	s25 =	simm.s32 $0x1B8E;
	s24 =	sld [smem:$0x3FFE];
	[sflag:s23] =	ssyncadd.s32 $0xFFFFFFFF  }
0xa5: {  	s26 =	simm.s32 $execute0_lowered;
	[smem:$0x3FD2] =	sst s25  }
0xa6: {  	s5 =	sshll.u32 s26, $0x1;
	_ =	strace $0x80000046;
	[dreg:$0x1] =	wrdreg $0xFFFFFFFF  }
0xa7: {  	s28 =	simm.s32 $_size_execute0_lowered;
	s3 =	sadd.s32 s3, s5;
	[dreg:$0x0] =	wrdreg $0x0  }
0xa8: {  	s5 =	sshll.u32 s28, $0x1;
	[dreg:$0x2] =	wrdreg s3  }
0xa9: {  	[dreg:$0x3] =	wrdreg s5  }
0xaa: {  	[dreg:$0x4] =	wrdreg $0xC0  }
0xab: {  	_ =	task [dreg:s7], $0x5FFFF  }
0xac: {  	[dreg:$0x1] =	wrdreg $0xFFFFFFFF  }
0xad: {  	[dreg:$0x0] =	wrdreg $0x60  }
0xae: {  	[dreg:$0x2] =	wrdreg s24  }
0xaf: {  	[dreg:$0x3] =	wrdreg s2  }
0xb0: {  	[dreg:$0x4] =	wrdreg $0x1A800  }
0xb1: {  	[dreg:$0x5] =	wrdreg $0x9  }
0xb2: {  	_ =	task.clear_ibuf [dreg:s7], $0x6FFFF;
	_ =	strace $0x90000046  }
0xb3: {  	s29 =	simm.s32 $0x9;
	_ =	strace $0x80000048  }
0xb4: {  	_ =	swait.ge [sflag:s29], $0x1  }
0xb5: {  	[sflag:s29] =	ssyncadd.s32 $0xFFFFFFFF  }
0xb6: {  	_ =	strace $0x90000048  }
0xb7: {  	_ =	sfence  }
0xb8: {  	s30 =	sld [smem:$0x0];
	_ =	sdelay $0x2  }
0xb9: {  	s31 =	sshll.u32 s1, $0xD;
	s1 =	sshrl.u32 s1, $0x2  }
0xba: {  	s3 =	sand.u32 $0x4000, s31;
	s1 =	sadd.s32 s1, s30  }
0xbb: {  	s0 =	sor.u32 s3, s0;
	s1 =	sshll.u32 s1, $0x11  }
0xbc: {  	s0 =	sor.u32 s1, s0  }
0xbd: {  	s0 =	sadd.s32 $0x8F2B, s0  }
0xbe: {  	[sflag:s0] =	ssyncadd.remote.s32 $0x1  }
0xbf: {  	_ =	sfence.sel $0xFFFF  }
0xc0: {  	[dreg:$0x0] =	wrdreg $0xFFFFFFFF;
	(pc) =	sbr.abs _section_cstart, $3  }
0xc1: {  	[dreg:$0x1] =	wrdreg $0xFFFFFFFF  }
0xc2: {  	_ =	task.clear_ibuf [dreg:s7], $0x2FFFF;
	_ =	strace $0x9FFFFFFF  }
0xc3: {  	(tm) =	ssettm $0x7FFFFFFF  }
tec
execute0_lowered:
.L_overlay_start_1:
0x0: {  	(tag) =	ssettag $0x1  }
0x1: {  	s4 =	rddreg [dreg:$0x0]  }
0x2: {  	s7 =	rddreg [dreg:$0x1]  }
0x3: {  	s1 =	rddreg [dreg:$0x2]  }
0x4: {  	s0 =	rddreg [dreg:$0x3];
	s2 =	simm.s32 $0x0  }
0x5: {  	s3 =	srdreg.scid;
	s11 =	stileid.u32;
	s12 =	simm.s32 $0x50  }
0x6: {  	[smem:$0x7FF] =	sst s2;
	s5 =	sand.u32 $0x1, s3;
	s6 =	smul.u32 $0xA00, s11  }
0x7: {  	s3 =	sadd.s32 $0x600, s4;
	s4 =	sadd.s32 $0x12600, s4;
	p0 =	sne.s32 s11, $0x0  }
0x8: {  	_ =	strace $0x80000047;
	s8 =	ssub.s32 $0x2, s5;
	s10 =	sshll.u32 s5, $0x4  }
0x9: {  	s13 =	sshrl.u32 @!p0 s1, $0x3;
	s9 =	sshrl.u32 s8, $0x1;
	s30 =	sshrl.u32 s6, $0x2  }
0xa: {  	s31 =	sor.u32 s11, s10;
	s7 =	sadd.s32 s7, s10;
	s10 =	simm.s32 $0x1  }
0xb: {  	s11 =	simm.s32 $0xC00;
	s8 =	ssub.s32 s8, s9;
	s5 =	sadd.s32 s30, s1  }
0xc: {  	v0 =	vimm.f32 $0.0e+00;
	s6 =	smul.u32 $0x4800, s31;
	s9 =	simm.s32 $0x1800;
	s8 =	smax.u32 s8, $0x1  }
.LBB2_1:
0xd: {  	[tilespmem:$0x1800] =	vst v0  }
0xe: {  	[tilespmem:$0x1810] =	vst v0  }
0xf: {  	[tilespmem:$0x1820] =	vst v0  }
0x10: {  	[tilespmem:$0x1830] =	vst v0  }
0x11: {  	[tilespmem:$0x1840] =	vst v0  }
0x12: {  	[tilespmem:$0x1850] =	vst v0  }
0x13: {  	[tilespmem:$0x1860] =	vst v0  }
0x14: {  	[tilespmem:$0x1870] =	vst v0  }
0x15: {  	[tilespmem:$0x1880] =	vst v0  }
0x16: {  	[tilespmem:$0x1890] =	vst v0  }
0x17: {  	[tilespmem:$0x18A0] =	vst v0  }
0x18: {  	[tilespmem:$0x18B0] =	vst v0  }
0x19: {  	[tilespmem:$0x18C0] =	vst v0  }
0x1a: {  	[tilespmem:$0x18D0] =	vst v0  }
0x1b: {  	[tilespmem:$0x18E0] =	vst v0  }
0x1c: {  	[tilespmem:$0x18F0] =	vst v0  }
0x1d: {  	[tilespmem:$0x1900] =	vst v0  }
0x1e: {  	[tilespmem:$0x1910] =	vst v0  }
0x1f: {  	[tilespmem:$0x1920] =	vst v0  }
0x20: {  	[tilespmem:$0x1930] =	vst v0  }
0x21: {  	[tilespmem:$0x1940] =	vst v0  }
0x22: {  	[tilespmem:$0x1950] =	vst v0  }
0x23: {  	[tilespmem:$0x1960] =	vst v0  }
0x24: {  	[tilespmem:$0x1970] =	vst v0  }
0x25: {  	[tilespmem:$0x1980] =	vst v0  }
0x26: {  	[tilespmem:$0x1990] =	vst v0  }
0x27: {  	[tilespmem:$0x19A0] =	vst v0  }
0x28: {  	[tilespmem:$0x19B0] =	vst v0  }
0x29: {  	[tilespmem:$0x19C0] =	vst v0  }
0x2a: {  	[tilespmem:$0x19D0] =	vst v0  }
0x2b: {  	[tilespmem:$0x19E0] =	vst v0  }
0x2c: {  	[tilespmem:$0x19F0] =	vst v0  }
0x2d: {  	[tilespmem:$0x1A00] =	vst v0  }
0x2e: {  	[tilespmem:$0x1A10] =	vst v0  }
0x2f: {  	[tilespmem:$0x1A20] =	vst v0  }
0x30: {  	[tilespmem:$0x1A30] =	vst v0  }
0x31: {  	[tilespmem:$0x1A40] =	vst v0  }
0x32: {  	[tilespmem:$0x1A50] =	vst v0  }
0x33: {  	[tilespmem:$0x1A60] =	vst v0  }
0x34: {  	[tilespmem:$0x1A70] =	vst v0  }
0x35: {  	[spmem:s5] =	stream.linear.scatter [tilespmem:s9], [sflag:$0x1], $0x280, $0x38;
	[tilespmem:$0x1D00] =	vst v63  }
0x36: {  	_ =	swait.ge [sflag:s10], $0x280  }
0x37: {  	[sflag:s10] =	ssyncset.done $0x0  }
0x38: {  	[sflag:s10] =	ssyncadd.s32 $0xFFFFFD80  }
0x39: {  	s14 =	simm.s32 $0x0;
	[bflag:$0x0] =	sbarrier.arrive $0xFFFF  }
.LBB2_2:
0x3a: {  	s15 =	smul.u32 $0xC00, s14;
	_ =	sdelay $0x1  }
0x3b: {  	s15 =	sadd.s32 s6, s15  }
0x3c: {  	s15 =	sshrl.u32 s15, $0x3  }
0x3d: {  	s17 =	simm.s32 $0x0;
	s16 =	sadd.s32 s3, s15  }
0x3e: {  	[tilespmem:s17], [sflag:$0x1] =	stream.linear.gather [hbm4b:s16+s17], $0xA80, $0x38;
	[tilespmem:$0x1D00] =	vst v63  }
0x3f: {  	_ =	swait.ge [sflag:s10], $0xA80  }
0x40: {  	[sflag:s10] =	ssyncset.done $0x0  }
0x41: {  	s15 =	sadd.s32 s4, s15;
	[sflag:s10] =	ssyncadd.s32 $0xFFFFF580  }
0x42: {  	[tilespmem:s11], [sflag:$0x1] =	stream.linear.gather [hbm4b:s15+s17], $0xA80, $0x38;
	[tilespmem:$0x1D00] =	vst v63  }
0x43: {  	_ =	swait.ge [sflag:s10], $0xA80  }
0x44: {  	[sflag:s10] =	ssyncset.done $0x0  }
0x45: {  	s30 =	simm.s32 $0x0;
	s31 =	simm.s32 $0xC00;
	[sflag:s10] =	ssyncadd.s32 $0xFFFFF580  }
0x46: {  	[spmem:s1] =	stream.indirect.scatter.add.f32 [tilespmem:s31], [sflag:$0x1], $0x1, s30, s12, $0xb8;
	[tilespmem:$0x1D00] =	vst v63  }
0x47: {  	s15 =	simm.s32 $0x200;
	_ =	swait.ge [sflag:s10], $0x50  }
.LBB2_3:
0x48: {  	s16 =	sshra.s32 s15, $0x2;
	[sflag:s10] =	ssyncset.done $0x0;
	p1 =	sne.s32 s15, $0x2800  }
.Ltmp0:
0x49: {  	s17 =	sadd.s32 $0xC00, s16;
	[sflag:s10] =	ssyncadd.s32 $0xFFFFFFB0;
	(pc) =	sbr.rel @p1 .LBB2_3-.Ltmp0, $3  }
0x4a: {  	[spmem:s1] =	stream.indirect.scatter.add.f32 [tilespmem:s17], [sflag:$0x1], $0x1, s16, s12, $0xb8;
	[tilespmem:$0x1D00] =	vst v63  }
0x4b: {  	s15 =	sadd.s32 $0x200, s15;
	_ =	sdelay $0x1  }
0x4c: {  	_ =	swait.ge [sflag:s10], $0x50  }
0x4d: {  	s14 =	sadd.s32 $0x1, s14  }
0x4e: {  	p1 =	sne.s32 s14, $0x6  }
.Ltmp1:
0x4f: {  	_ = 	snop;
	(pc) =	sbr.rel @p1 .LBB2_2-.Ltmp1, $3  }
0x50: {  	_ =	sdelay $0x1  }
0x51: {  	[sflag:s10] =	ssyncset.done $0x0  }
0x52: {  	[sflag:s10] =	ssyncadd.s32 $0xFFFFFFB0  }
0x53: {  	[bflag:$0x0] =	sbarrier.arrive $0xFFFF;
	s2 =	sadd.s32 $0x1, s2  }
0x54: {  	s14 =	simm.s32 @!p0 $0x1;
	s15 =	simm.s32 @!p0 $0x20;
	p1 =	sne.s32 s2, s8  }
.Ltmp2:
0x55: {  	s16 =	simm.s32 @!p0 $0x10;
	s17 =	simm.s32 @!p0 $0x1C01;
	(pc) =	sbr.rel @p1 .LBB2_1-.Ltmp2, $4  }
0x56: {  	[hbm:s7@s15], [sflag:s17] =	dma.strided @!p0 [spmem:s13@s16], $0x500, s14, $0x10   }
0x57: {  	_ =	swait.ge @!p0 [sflag:s14], $0x500  }
0x58: {  	[sflag:s14] =	ssyncset.done @!p0 $0x0  }
0x59: {  	[sflag:s14] =	ssyncadd.s32 @!p0 $0xFFFFFB00  }
0x5a: {  	_ =	sfence.sel $0x180000  }
0x5b: {  	[bflag:$0x0] =	sbarrier.arrive $0xFFFF  }
0x5c: {  	_ =	strace $0x90000047  }
0x5d: {  	s0 =	sadd.s32 @!p0 $0x100000, s0;
	[bflag:$0x2] =	sbarrier.arrive $0xFFFF  }
0x5e: {  	[sflag:s0] =	ssyncadd.tile.s32 @!p0 $0x1;
	_ =	shalt  }
.Lfunc_end2:
_tile_overlayer_lowered:
.L_overlay_start_2:
0x5f: {  	(tag) =	ssettag $0x2  }
0x60: {  	s0 =	rddreg [dreg:$0x0];
	s2 =	stileid.u32  }
0x61: {  	s1 =	rddreg [dreg:$0x1];
	p0 =	sne.s32 s2, $0x0  }
0x62: {  	s3 =	rddreg [dreg:$0x2];
	[bflag:$0x3] =	sbarrier.arrive $0xFFFF;
	s2 =	simm.s32 @!p0 $0x1C01  }
0x63: {  	[timem:s3], [sflag:s2] =	dma.local @!p0 [hbm:s0], s1  }
0x64: {  	s0 =	simm.s32 @!p0 $0x1  }
0x65: {  	_ =	swait.ge @!p0 [sflag:s0], s1  }
0x66: {  	s1 =	ssub.s32 @!p0 $0x0, s1;
	[sflag:s0] =	ssyncset.done @!p0 $0x0  }
0x67: {  	[sflag:s0] =	ssyncadd.s32 @!p0 s1  }
0x68: {  	[bflag:$0x3] =	sbarrier.arrive $0xFFFF  }
0x69: {  	_ =	shalt  }

</sc_bundles>
